<compile_context>
chip_gen: v7x
topology: tpu7x:2x2x1
jax: 0.10.2.dev20260603
libtpu: 0.0.44.dev20260713+nightly
codegen_flags: <defaults>
</compile_context>

<pallas_src>
import functools

import jax
import jax.numpy as jnp
from jax import lax
from jax.experimental import pallas as pl
from jax.experimental.pallas import tpu as pltpu
from jax.experimental.pallas import tpu_sc as plsc

Q = 64
D = 32
BK = 8000


def _dist_argmax_body(x2_ref, p_ref, bi_ref, bs_ref):
    i = pl.program_id(0)

    @pl.when(i == 0)
    def _init():
        bs_ref[...] = jnp.full((Q,), -jnp.inf, jnp.float32)
        bi_ref[...] = jnp.zeros((Q,), jnp.int32)

    p = p_ref[...]
    cross2 = lax.dot_general(
        x2_ref[...], p, (((1,), (1,)), ((), ())),
        preferred_element_type=jnp.float32,
    )
    p2 = jnp.sum(p * p, axis=1)
    s = cross2 - p2[None, :]
    m = jnp.max(s, axis=1)
    li = jnp.argmax(s, axis=1).astype(jnp.int32)
    gi = i * BK + li
    upd = m > bs_ref[...]
    bs_ref[...] = jnp.where(upd, m, bs_ref[...])
    bi_ref[...] = jnp.where(upd, gi, bi_ref[...])


def _dist_argmax(x2, prototypes):
    k = prototypes.shape[0]
    grid = k // BK
    return pl.pallas_call(
        _dist_argmax_body,
        grid=(grid,),
        in_specs=[
            pl.BlockSpec((Q, D), lambda i: (0, 0)),
            pl.BlockSpec((BK, D), lambda i: (i, 0)),
        ],
        out_specs=[
            pl.BlockSpec((Q,), lambda i: (0,)),
            pl.BlockSpec((Q,), lambda i: (0,)),
        ],
        out_shape=[
            jax.ShapeDtypeStruct((Q,), jnp.int32),
            jax.ShapeDtypeStruct((Q,), jnp.float32),
        ],
        compiler_params=pltpu.CompilerParams(
            dimension_semantics=("arbitrary",),
        ),
    )(x2, prototypes)


@functools.cache
def _make_sc_gather():
    mesh = plsc.VectorSubcoreMesh(core_axis_name="c", subcore_axis_name="s")

    @functools.partial(
        pl.kernel,
        mesh=mesh,
        out_type=jax.ShapeDtypeStruct((Q,), jnp.float32),
        scratch_types=[
            pltpu.VMEM((Q,), jnp.int32),
            pltpu.VMEM((Q,), jnp.int32),
            pltpu.VMEM((Q,), jnp.float32),
            pltpu.SemaphoreType.DMA,
        ],
    )
    def sc_gather(labels_hbm, idx_hbm, out_hbm, idx_v, lab_v, labf_v, sem):
        cid = lax.axis_index("c")
        sid = lax.axis_index("s")

        @pl.when(jnp.logical_and(cid == 0, sid == 0))
        def _():
            pltpu.sync_copy(idx_hbm, idx_v)
            pltpu.async_copy(labels_hbm.at[idx_v], lab_v, sem).wait()
            for j in range(Q // 16):
                sl = pl.ds(j * 16, 16)
                labf_v[sl] = lab_v[sl].astype(jnp.float32)
            pltpu.sync_copy(labf_v, out_hbm)

    return sc_gather


@jax.jit
def kernel(x, preds, prototypes, labels):
    x2 = x + x
    best_i, _ = _dist_argmax(x2, prototypes)
    lab = _make_sc_gather()(labels, best_i)
    return preds.at[:, -1].set(lab)

# --- scband reference (transcript-rebuilt; emitter-appended) ---
"""Pipeline reference for scband-base-protonet-29222957482794 (READ-ONLY COPY).

The authoritative reference and input builder live on the scoring server;
editing this copy changes nothing except your own understanding.
"""

import jax, jax.numpy as jnp
import numpy as np


def setup_inputs(seed: int = 0) -> dict:
    key = jax.random.key(seed)
    k1, k2, k3, k4 = jax.random.split(key, 4)
    Q, d, K = 64, 32, 1000000
    x = jax.random.normal(k1, (Q, d), dtype=jnp.float32)
    preds = jax.random.uniform(k2, (Q, 5), dtype=jnp.float32)
    # 'trained' protonet state: one prototype vector per (fine/coarse) class label
    prototypes = jax.random.normal(k3, (K, d), dtype=jnp.float32)
    labels = jax.random.randint(k4, (K,), 0, 21841, dtype=jnp.int32)
    return {"x": x, "preds": preds, "prototypes": prototypes, "labels": labels}


def reference(x, preds, prototypes, labels):
    # BaseProtonet.forward with norm=False:
    # for each feature f: ds[i] = 1/(mse_loss(f, pt_i) + 1e-5); box[-1] = fls[ds.argmax()]
    # mse_loss(f, pt) = mean((f - pt)**2) over the d feature dims; computed here
    # in expanded form ||f||^2 - 2 f.pt + ||pt||^2, all divided by d.
    d = x.shape[1]
    x2 = jnp.sum(x * x, axis=1, keepdims=True)            # [Q, 1]
    p2 = jnp.sum(prototypes * prototypes, axis=1)          # [K]
    cross = x @ prototypes.T                               # [Q, K]
    mse = (x2 - 2.0 * cross + p2[None, :]) / d             # [Q, K] pairwise mse_loss
    ds = 1.0 / (mse + 1e-5)                                # inverse-distance scores
    idx = jnp.argmax(ds, axis=1)                           # nearest prototype per query
    lab = jnp.take(labels, idx, axis=0).astype(preds.dtype)
    out = preds.at[:, -1].set(lab)                         # box[-1] = fls[ds.argmax()]
    return out

if __name__ == "__main__":
    import jax
    _d = setup_inputs()
    print(jax.jit(kernel)(*tuple(_d.values())))

</pallas_src>

<mosaic_0001>
#map = affine_map<(d0, d1) -> (0)>
module attributes {stable_mosaic.version = 14 : i64} {
  func.func @sc_gather(%arg0: i32, %arg1: i32, %arg2: memref<1000000xi32, #tpu.memory_space<hbm>>, %arg3: memref<64xi32, #tpu.memory_space<hbm>>, %arg4: memref<64xf32, #tpu.memory_space<hbm>>, %arg5: memref<64xi32, #tpu.memory_space<vmem>>, %arg6: memref<64xi32, #tpu.memory_space<vmem>>, %arg7: memref<64xf32, #tpu.memory_space<vmem>>, %arg8: memref<!tpu.dma_semaphore, #tpu.memory_space<semaphore_mem>>) attributes {dimension_semantics = [#tpu.dimension_semantics<core_parallel>, #tpu.dimension_semantics<subcore_parallel>], iteration_bounds = array<i64: 2, 16>, scalar_prefetch = 0 : i64, scratch_operands = 4 : i64, tpu.core_type = #tpu.core_type<sc_vector_subcore>, window_params = [{transform_indices = #map}, {transform_indices = #map}, {transform_indices = #map}]} {
    %eq3A = arith.constant 0 : i32
    %eq3A_0 = arith.cmpi eq, %arg0, %eq3A : i32
    %eq3A_1 = arith.constant 0 : i32
    %eq3A_2 = arith.cmpi eq, %arg1, %eq3A_1 : i32
    %and3A = arith.andi %eq3A_0, %eq3A_2 : i1
    %convert_element_type3A = arith.extui %and3A : i1 to i32
    %cond3A = arith.constant 0 : i32
    %cond3A_3 = arith.cmpi ne, %convert_element_type3A, %cond3A : i32
    scf.if %cond3A_3 {
      "tpu.region"() ({
        %run_scoped3A = tpu.sem_alloc : memref<!tpu.dma_semaphore, #tpu.memory_space<semaphore_mem>>
        tpu.enqueue_dma source(%arg3 : memref<64xi32, #tpu.memory_space<hbm>>) target(%arg5 : memref<64xi32, #tpu.memory_space<vmem>>) target_semaphore(%run_scoped3A : memref<!tpu.dma_semaphore, #tpu.memory_space<semaphore_mem>>)
        tpu.wait_dma2 semaphore(%run_scoped3A : memref<!tpu.dma_semaphore, #tpu.memory_space<semaphore_mem>>) src(%arg3 : memref<64xi32, #tpu.memory_space<hbm>>) dst(%arg5 : memref<64xi32, #tpu.memory_space<vmem>>)
        tpu.yield
      }) : () -> ()
      %dma_start3A = arith.constant 0 : i32
      %dma_start3A_4 = tpu.memref_slice %arg2[%dma_start3A] : memref<1000000xi32, #tpu.memory_space<hbm>> -> memref<1000000xi32, #tpu.memory_space<hbm>>
      tpu.enqueue_indirect_dma source(%dma_start3A_4 : memref<1000000xi32, #tpu.memory_space<hbm>>) target(%arg6 : memref<64xi32, #tpu.memory_space<vmem>>) offsets(%arg5 : memref<64xi32, #tpu.memory_space<vmem>>) semaphore(%arg8 : memref<!tpu.dma_semaphore, #tpu.memory_space<semaphore_mem>>)
      %dma_wait3A = arith.constant 0 : i32
      %dma_wait3A_5 = tpu.memref_slice %arg2[%dma_wait3A] : memref<1000000xi32, #tpu.memory_space<hbm>> -> memref<1000000xi32, #tpu.memory_space<hbm>>
      tpu.wait_indirect_dma semaphore(%arg8 : memref<!tpu.dma_semaphore, #tpu.memory_space<semaphore_mem>>) src(%dma_wait3A_5 : memref<1000000xi32, #tpu.memory_space<hbm>>) dst(%arg6 : memref<64xi32, #tpu.memory_space<vmem>>)
      %get3A = arith.constant 0 : index
      %get3A_6 = tpu.vector_load %arg6[%get3A] {strides = array<i32>} : memref<64xi32, #tpu.memory_space<vmem>>, vector<16xi32>,
      %get3A_7 = vector.shape_cast %get3A_6 : vector<16xi32> to vector<16xi32>
      %convert_element_type3A_8 = arith.sitofp %get3A_7 : vector<16xi32> to vector<16xf32>
      %swap3A = arith.constant 0 : index
      %swap3A_9 = tpu.vector_load %arg7[%swap3A] {strides = array<i32>} : memref<64xf32, #tpu.memory_space<vmem>>, vector<16xf32>,
      %swap3A_10 = vector.shape_cast %swap3A_9 : vector<16xf32> to vector<16xf32>
      %swap3A_11 = vector.shape_cast %convert_element_type3A_8 : vector<16xf32> to vector<16xf32>
      tpu.vector_store %arg7[%swap3A], %swap3A_11 {strides = array<i32>} : memref<64xf32, #tpu.memory_space<vmem>>, vector<16xf32>,
      %get3A_12 = arith.constant 16 : index
      %get3A_13 = tpu.vector_load %arg6[%get3A_12] {strides = array<i32>} : memref<64xi32, #tpu.memory_space<vmem>>, vector<16xi32>,
      %get3A_14 = vector.shape_cast %get3A_13 : vector<16xi32> to vector<16xi32>
      %convert_element_type3A_15 = arith.sitofp %get3A_14 : vector<16xi32> to vector<16xf32>
      %swap3A_16 = arith.constant 16 : index
      %swap3A_17 = tpu.vector_load %arg7[%swap3A_16] {strides = array<i32>} : memref<64xf32, #tpu.memory_space<vmem>>, vector<16xf32>,
      %swap3A_18 = vector.shape_cast %swap3A_17 : vector<16xf32> to vector<16xf32>
      %swap3A_19 = vector.shape_cast %convert_element_type3A_15 : vector<16xf32> to vector<16xf32>
      tpu.vector_store %arg7[%swap3A_16], %swap3A_19 {strides = array<i32>} : memref<64xf32, #tpu.memory_space<vmem>>, vector<16xf32>,
      %get3A_20 = arith.constant 32 : index
      %get3A_21 = tpu.vector_load %arg6[%get3A_20] {strides = array<i32>} : memref<64xi32, #tpu.memory_space<vmem>>, vector<16xi32>,
      %get3A_22 = vector.shape_cast %get3A_21 : vector<16xi32> to vector<16xi32>
      %convert_element_type3A_23 = arith.sitofp %get3A_22 : vector<16xi32> to vector<16xf32>
      %swap3A_24 = arith.constant 32 : index
      %swap3A_25 = tpu.vector_load %arg7[%swap3A_24] {strides = array<i32>} : memref<64xf32, #tpu.memory_space<vmem>>, vector<16xf32>,
      %swap3A_26 = vector.shape_cast %swap3A_25 : vector<16xf32> to vector<16xf32>
      %swap3A_27 = vector.shape_cast %convert_element_type3A_23 : vector<16xf32> to vector<16xf32>
      tpu.vector_store %arg7[%swap3A_24], %swap3A_27 {strides = array<i32>} : memref<64xf32, #tpu.memory_space<vmem>>, vector<16xf32>,
      %get3A_28 = arith.constant 48 : index
      %get3A_29 = tpu.vector_load %arg6[%get3A_28] {strides = array<i32>} : memref<64xi32, #tpu.memory_space<vmem>>, vector<16xi32>,
      %get3A_30 = vector.shape_cast %get3A_29 : vector<16xi32> to vector<16xi32>
      %convert_element_type3A_31 = arith.sitofp %get3A_30 : vector<16xi32> to vector<16xf32>
      %swap3A_32 = arith.constant 48 : index
      %swap3A_33 = tpu.vector_load %arg7[%swap3A_32] {strides = array<i32>} : memref<64xf32, #tpu.memory_space<vmem>>, vector<16xf32>,
      %swap3A_34 = vector.shape_cast %swap3A_33 : vector<16xf32> to vector<16xf32>
      %swap3A_35 = vector.shape_cast %convert_element_type3A_31 : vector<16xf32> to vector<16xf32>
      tpu.vector_store %arg7[%swap3A_32], %swap3A_35 {strides = array<i32>} : memref<64xf32, #tpu.memory_space<vmem>>, vector<16xf32>,
      "tpu.region"() ({
        %run_scoped3A = tpu.sem_alloc : memref<!tpu.dma_semaphore, #tpu.memory_space<semaphore_mem>>
        tpu.enqueue_dma source(%arg7 : memref<64xf32, #tpu.memory_space<vmem>>) target(%arg4 : memref<64xf32, #tpu.memory_space<hbm>>) target_semaphore(%run_scoped3A : memref<!tpu.dma_semaphore, #tpu.memory_space<semaphore_mem>>)
        tpu.wait_dma2 semaphore(%run_scoped3A : memref<!tpu.dma_semaphore, #tpu.memory_space<semaphore_mem>>) src(%arg7 : memref<64xf32, #tpu.memory_space<vmem>>) dst(%arg4 : memref<64xf32, #tpu.memory_space<hbm>>)
        tpu.yield
      }) : () -> ()
    } else {
    }
    return
  }
}

module attributes {stable_mosaic.version = 14 : i64} {
  func.func @_dist_argmax_body(%arg0: i32, %arg1: memref<64x32xf32, #tpu.memory_space<vmem>>, %arg2: memref<8000x32xf32, #tpu.memory_space<vmem>>, %arg3: memref<64xi32, #tpu.memory_space<vmem>>, %arg4: memref<64xf32, #tpu.memory_space<vmem>>) attributes {dimension_semantics = [#tpu.dimension_semantics<arbitrary>], iteration_bounds = array<i64: 125>, scalar_prefetch = 0 : i64, scratch_operands = 0 : i64, tpu.core_type = #tpu.core_type<tc>, window_params = [{pipeline_mode = #tpu.pipeline_mode<synchronous>, transform_indices = @transform_0, window_bounds = array<i64: 64, 32>}, {transform_indices = @transform_1, window_bounds = array<i64: 8000, 32>}, {pipeline_mode = #tpu.pipeline_mode<synchronous>, transform_indices = @transform_2, window_bounds = array<i64: 64>}, {pipeline_mode = #tpu.pipeline_mode<synchronous>, transform_indices = @transform_3, window_bounds = array<i64: 64>}]} {
    %eq3A = arith.constant 0 : i32
    %eq3A_0 = arith.cmpi eq, %arg0, %eq3A : i32
    %convert_element_type3A = arith.extui %eq3A_0 : i1 to i32
    %cond3A = arith.constant 0 : i32
    %cond3A_1 = arith.cmpi ne, %convert_element_type3A, %cond3A : i32
    scf.if %cond3A_1 {
      %broadcast_in_dim3A_24 = arith.constant 0xFF800000 : f32
      %broadcast_in_dim3A_25 = vector.broadcast %broadcast_in_dim3A_24 : f32 to vector<64xf32>
      %swap3A_26 = arith.constant 0 : index
      %swap3A_27 = vector.load %arg4[%swap3A_26] : memref<64xf32, #tpu.memory_space<vmem>>, vector<64xf32>
      tpu.vector_store %arg4[%swap3A_26], %broadcast_in_dim3A_25 {strides = array<i32>} : memref<64xf32, #tpu.memory_space<vmem>>, vector<64xf32>,
      %broadcast_in_dim3A_28 = arith.constant 0 : i32
      %broadcast_in_dim3A_29 = vector.broadcast %broadcast_in_dim3A_28 : i32 to vector<64xi32>
      %swap3A_30 = arith.constant 0 : index
      %swap3A_31 = vector.load %arg3[%swap3A_30] : memref<64xi32, #tpu.memory_space<vmem>>, vector<64xi32>
      tpu.vector_store %arg3[%swap3A_30], %broadcast_in_dim3A_29 {strides = array<i32>} : memref<64xi32, #tpu.memory_space<vmem>>, vector<64xi32>,
    } else {
    }
    %get3A = arith.constant 0 : index
    %get3A_2 = arith.constant 0 : index
    %get3A_3 = vector.load %arg2[%get3A, %get3A_2] : memref<8000x32xf32, #tpu.memory_space<vmem>>, vector<8000x32xf32>
    %get3A_4 = arith.constant 0 : index
    %get3A_5 = arith.constant 0 : index
    %get3A_6 = vector.load %arg1[%get3A_4, %get3A_5] : memref<64x32xf32, #tpu.memory_space<vmem>>, vector<64x32xf32>
    %dot_general3A = arith.constant dense<0.000000e+00> : vector<64x8000xf32>
    %dot_general3A_7 = tpu.matmul %get3A_6, %get3A_3, %dot_general3A {dimension_numbers = #tpu.dot_dimension_numbers<[1], [1], [0], [0], [0, 0, 1, 0], [], []>, transpose_lhs_hint = false} : vector<64x32xf32>, vector<8000x32xf32>, vector<64x8000xf32> -> vector<64x8000xf32>
    %mul3A = arith.mulf %get3A_3, %get3A_3 : vector<8000x32xf32>
    %reduce_sum3A = arith.constant dense<0.000000e+00> : vector<8000xf32>
    %reduce_sum3A_8 = vector.multi_reduction <add>, %mul3A, %reduce_sum3A [1] : vector<8000x32xf32> to vector<8000xf32>
    %broadcast_in_dim3A = vector.shape_cast %reduce_sum3A_8 : vector<8000xf32> to vector<1x8000xf32>
    %sub3A = vector.broadcast %broadcast_in_dim3A : vector<1x8000xf32> to vector<64x8000xf32>
    %sub3A_9 = arith.subf %dot_general3A_7, %sub3A : vector<64x8000xf32>
    %reduce_max3A = arith.constant dense<0xFF800000> : vector<64xf32>
    %reduce_max3A_10 = vector.multi_reduction <maximumf>, %sub3A_9, %reduce_max3A [1] : vector<64x8000xf32> to vector<64xf32>
    %argmax3A = tpu.reduce_index %sub3A_9 {axis = 1 : i32, kind = #tpu.reduction_kind<arg_max>} : vector<64x8000xf32> -> vector<64xi32>
    %mul3A_11 = arith.constant 8000 : i32
    %mul3A_12 = arith.muli %arg0, %mul3A_11 : i32
    %add3A = vector.broadcast %mul3A_12 : i32 to vector<64xi32>
    %add3A_13 = arith.addi %add3A, %argmax3A : vector<64xi32>
    %get3A_14 = arith.constant 0 : index
    %get3A_15 = vector.load %arg4[%get3A_14] : memref<64xf32, #tpu.memory_space<vmem>>, vector<64xf32>
    %gt3A = arith.cmpf ogt, %reduce_max3A_10, %get3A_15 : vector<64xf32>
    %get3A_16 = arith.constant 0 : index
    %get3A_17 = vector.load %arg4[%get3A_16] : memref<64xf32, #tpu.memory_space<vmem>>, vector<64xf32>
    %select_n3A = arith.select %gt3A, %reduce_max3A_10, %get3A_17 : vector<64xi1>, vector<64xf32>
    %swap3A = arith.constant 0 : index
    %swap3A_18 = vector.load %arg4[%swap3A] : memref<64xf32, #tpu.memory_space<vmem>>, vector<64xf32>
    tpu.vector_store %arg4[%swap3A], %select_n3A {strides = array<i32>} : memref<64xf32, #tpu.memory_space<vmem>>, vector<64xf32>,
    %get3A_19 = arith.constant 0 : index
    %get3A_20 = vector.load %arg3[%get3A_19] : memref<64xi32, #tpu.memory_space<vmem>>, vector<64xi32>
    %select_n3A_21 = arith.select %gt3A, %add3A_13, %get3A_20 : vector<64xi1>, vector<64xi32>
    %swap3A_22 = arith.constant 0 : index
    %swap3A_23 = vector.load %arg3[%swap3A_22] : memref<64xi32, #tpu.memory_space<vmem>>, vector<64xi32>
    tpu.vector_store %arg3[%swap3A_22], %select_n3A_21 {strides = array<i32>} : memref<64xi32, #tpu.memory_space<vmem>>, vector<64xi32>,
    return
  }
  func.func @transform_0(%arg0: i32) -> (i32, i32) {
    %c0_i32 = arith.constant 0 : i32
    %c0_i32_0 = arith.constant 0 : i32
    %c0_i32_1 = arith.constant 0 : i32
    return %c0_i32, %c0_i32_0 : i32, i32
  }
  func.func @transform_1(%arg0: i32) -> (i32, i32) {
    %c0_i32 = arith.constant 0 : i32
    %c0_i32_0 = arith.constant 0 : i32
    return %arg0, %c0_i32 : i32, i32
  }
  func.func @transform_2(%arg0: i32) -> i32 {
    %c0_i32 = arith.constant 0 : i32
    %c0_i32_0 = arith.constant 0 : i32
    return %c0_i32 : i32
  }
  func.func @transform_3(%arg0: i32) -> i32 {
    %c0_i32 = arith.constant 0 : i32
    %c0_i32_0 = arith.constant 0 : i32
    return %c0_i32 : i32
  }
}

</mosaic_0001>

<sc_bundles>
// kernel: kernel.4.cloned.1.call-start
scs
__scs_entry_jumppad:
0x0: {  	(pc) =	sbr.rel $0x88, $3  }
0x1: {  	(tag) =	ssettag $0x0;
	lr =	simm.s32 $0x1  }
0x2: {  	[smem:$0x3F9D] =	sst lr;
	_ =	strace $0xD0000000  }
0x3: {  	_ = 	snop  }
0x4: {  	_ = 	snop  }
0x5: {  	_ = 	snop  }
0x6: {  	_ = 	snop  }
0x7: {  	_ = 	snop  }
__scs_overlays_trampoline_lowered:
0x8: {  	[smem:$0x3FAC] =	sst s0  }
0x9: {  	[smem:$0x3FAD] =	sst s1  }
0xa: {  	[smem:$0x3FAE] =	sst s2  }
0xb: {  	[smem:$0x3FAF] =	sst s3  }
0xc: {  	[smem:$0x3FB0] =	sst s4  }
0xd: {  	[smem:$0x3FB1] =	sst s5  }
0xe: {  	[smem:$0x3FB2] =	sst s6  }
0xf: {  	[smem:$0x3FB3] =	sst s7  }
0x10: {  	[smem:$0x3FB4] =	sst s8  }
0x11: {  	[smem:$0x3FB5] =	sst s9;
	s0 =	simm.s32 @!p0 $0x0  }
0x12: {  	s1 =	sld [smem:$0x3F9B];
	s0 =	simm.s32 @p0 $0x1  }
0x13: {  	[smem:$0x3FB6] =	sst s0;
	s0 =	simm.s32 @!p1 $0x0  }
0x14: {  	s2 =	sld [smem:$0x3F9A];
	s0 =	simm.s32 @p1 $0x1  }
0x15: {  	[smem:$0x3FB7] =	sst s0;
	s0 =	simm.s32 @!p2 $0x0  }
0x16: {  	s3 =	sld [smem:$0x3FDB];
	s0 =	simm.s32 @p2 $0x1  }
0x17: {  	s4 =	simm.s32 $0x1BF5;
	[smem:$0x3FB9] =	sst s0  }
0x18: {  	s0 =	sld [smem:$0x3F9C];
	_ =	swait.ge [sflag:s4], $0x0  }
0x19: {  	s7 =	sld [smem:$0x3F9D]  }
0x1a: {  	s8 =	sadd.s32 $0xFFFFE003, lr  }
0x1b: {  	s9 =	sadd.s32 $0xFFFFFEF7, lr;
	s5 =	simm.s32 $0xFFFFFFFF;
	p2 =	slt.u32 s8, $0xFFFFF086  }
0x1c: {  	p1 =	slt.u32 s9, $0xF7A;
	s5 =	simm.s32 @!p2 $0x0  }
0x1d: {  	s5 =	simm.s32 @p1 $0x1;
	p0 =	seq.s32 s7, s2  }
0x1e: {  	s7 =	smul.u32 @!p0 $0xF7A, s2;
	p2 =	seq.s32 @!p0 s5, $0x0  }
0x1f: {  	s9 =	smul.u32 $0xF7A, s1;
	s8 =	simm.s32 @!p0 $0x1BF5;
	p2 =	por !p2, p0  }
0x20: {  	[sflag:s8] =	ssyncset.s32 @!p0 $0xFFFFF086;
	s6 =	sadd.s32 @!p0 s3, s7;
	s7 =	simm.s32 @!p0 $0x108  }
0x21: {  	s3 =	sadd.s32 s3, s9;
	s6 =	sadd.s32 @!p0 $0x88, s6;
	s7 =	simm.s32 @p2 $0x1082  }
0x22: {  	[simem:s7], [sflag:s8] =	dma.local @!p0 [hbm:s6], $0xF7A  }
0x23: {  	s9 =	sor.u32 $0xD0000000, s2;
	s6 =	simm.s32 $0x108;
	_ =	swait.ge @!p0 [sflag:s8], $0x0  }
0x24: {  	s3 =	sadd.s32 $0x88, s3;
	s6 =	simm.s32 @!p1 $0x1082;
	[sflag:s4] =	ssyncset.s32 $0xFFFFF086  }
0x25: {  	[simem:s6], [sflag:s4] =	dma.local [hbm:s3], $0xF7A  }
0x26: {  	[smem:$0x3F9D] =	sst s1;
	(tag) =	ssettag s2;
	_ =	strace s9  }
0x27: {  	s1 =	sld [smem:$0x3FAD]  }
0x28: {  	s2 =	sld [smem:$0x3FAE]  }
0x29: {  	s4 =	sld [smem:$0x3FB0]  }
0x2a: {  	p0 =	seq.s32 s5, $0x0;
	s5 =	sld [smem:$0x3FB1]  }
0x2b: {  	s6 =	sld [smem:$0x3FB2]  }
0x2c: {  	s7 =	sld [smem:$0x3FB3]  }
0x2d: {  	s3 =	simm.s32 $0x108;
	s8 =	sld [smem:$0x3FB4]  }
0x2e: {  	s3 =	simm.s32 @!p0 $0x1082;
	s9 =	sld [smem:$0x3FB5]  }
0x2f: {  	lr =	sadd.s32 s0, s3;
	s0 =	sld [smem:$0x3FAC]  }
0x30: {  	s3 =	sld [smem:$0x3FAF]  }
0x31: {  	[smem:$0x3FB8] =	sst s10  }
0x32: {  	s10 =	sld [smem:$0x3FB6];
	_ =	sdelay $0x3  }
0x33: {  	p0 =	seq.s32 s10, $0x1;
	s10 =	sld [smem:$0x3FB8];
	_ =	sdelay $0x3  }
0x34: {  	[smem:$0x3FB8] =	sst s10  }
0x35: {  	s10 =	sld [smem:$0x3FB7];
	_ =	sdelay $0x3  }
0x36: {  	p1 =	seq.s32 s10, $0x1;
	s10 =	sld [smem:$0x3FB8];
	_ =	sdelay $0x3  }
0x37: {  	[smem:$0x3FB8] =	sst s10  }
0x38: {  	s10 =	sld [smem:$0x3FB9]  }
0x39: {  	_ = 	snop;
	(pc) =	sbr.ind lr, $3  }
0x3a: {  	_ = 	snop  }
0x3b: {  	_ = 	snop  }
0x3c: {  	p2 =	seq.s32 s10, $0x1;
	s10 =	sld [smem:$0x3FB8]  }
0x3d: {  	_ =	shalt  }
0x3e: {  	_ =	shalt  }
0x3f: {  	_ =	shalt  }
0x40: {  	_ =	shalt  }
0x41: {  	_ =	shalt  }
0x42: {  	_ =	shalt  }
0x43: {  	_ =	shalt  }
0x44: {  	_ =	shalt  }
0x45: {  	_ =	shalt  }
0x46: {  	_ =	shalt  }
0x47: {  	_ =	shalt  }
0x48: {  	_ =	shalt  }
0x49: {  	_ =	shalt  }
0x4a: {  	_ =	shalt  }
0x4b: {  	_ =	shalt  }
0x4c: {  	_ =	shalt  }
0x4d: {  	_ =	shalt  }
0x4e: {  	_ =	shalt  }
0x4f: {  	_ =	shalt  }
0x50: {  	_ =	shalt  }
0x51: {  	_ =	shalt  }
0x52: {  	_ =	shalt  }
0x53: {  	_ =	shalt  }
0x54: {  	_ =	shalt  }
0x55: {  	_ =	shalt  }
0x56: {  	_ =	shalt  }
0x57: {  	_ =	shalt  }
0x58: {  	_ =	shalt  }
0x59: {  	_ =	shalt  }
0x5a: {  	_ =	shalt  }
0x5b: {  	_ =	shalt  }
0x5c: {  	_ =	shalt  }
0x5d: {  	_ =	shalt  }
0x5e: {  	_ =	shalt  }
0x5f: {  	_ =	shalt  }
0x60: {  	_ =	shalt  }
0x61: {  	_ =	shalt  }
0x62: {  	_ =	shalt  }
0x63: {  	_ =	shalt  }
0x64: {  	_ =	shalt  }
0x65: {  	_ =	shalt  }
0x66: {  	_ =	shalt  }
0x67: {  	_ =	shalt  }
0x68: {  	_ =	shalt  }
0x69: {  	_ =	shalt  }
0x6a: {  	_ =	shalt  }
0x6b: {  	_ =	shalt  }
0x6c: {  	_ =	shalt  }
0x6d: {  	_ =	shalt  }
0x6e: {  	_ =	shalt  }
0x6f: {  	_ =	shalt  }
0x70: {  	_ =	shalt  }
0x71: {  	_ =	shalt  }
0x72: {  	_ =	shalt  }
0x73: {  	_ =	shalt  }
0x74: {  	_ =	shalt  }
0x75: {  	_ =	shalt  }
0x76: {  	_ =	shalt  }
0x77: {  	_ =	shalt  }
0x78: {  	_ =	shalt  }
0x79: {  	_ =	shalt  }
0x7a: {  	_ =	shalt  }
0x7b: {  	_ =	shalt  }
0x7c: {  	_ =	shalt  }
0x7d: {  	_ =	shalt  }
0x7e: {  	_ =	shalt  }
0x7f: {  	_ =	shalt  }
0x80: {  	_ =	shalt  }
0x81: {  	_ =	shalt  }
0x82: {  	_ =	shalt  }
0x83: {  	_ =	shalt  }
0x84: {  	_ =	shalt  }
0x85: {  	_ =	shalt  }
0x86: {  	_ =	shalt  }
0x87: {  	_ =	shalt  }
.Lfunc_end0:
.L_simem_size_0:
called_computation_lowered:
.L_overlay_start_0:
0x88: {  	s2 =	sld [smem:$0x3FD9]  }
0x89: {  	s3 =	sld [smem:$0x3FFE];
	_ =	sdelay $0x1  }
0x8a: {  	s1 =	srdreg.scid  }
0x8b: {  	s0 =	sand.u32 $0x1, s1  }
0x8c: {  	s17 =	sshll.u32 s0, $0xA;
	s2 =	sadd.s32 s3, s2  }
0x8d: {  	s2 =	sadd.s32 s2, s17  }
0x8e: {  	[smem:$0x3FC4] =	sst s2  }
0x8f: {  	_ = 	snop  }
0x90: {  	s2 =	sld [smem:$0x3FC6];
	(tm) =	ssettm $0x1  }
0x91: {  	s18 =	sld [smem:$0x3FFB];
	_ =	sdelay $0x3  }
0x92: {  	_ =	strace s18  }
0x93: {  	s3 =	sld [smem:$0x3FFC];
	_ =	sdelay $0x3  }
0x94: {  	_ =	strace s3  }
0x95: {  	s3 =	sld [smem:$0x3FFD];
	_ =	sdelay $0x3  }
0x96: {  	_ =	strace s3  }
0x97: {  	_ =	strace $0x8FFFFFFF  }
0x98: {  	s19 =	sld [smem:$0x3FDB];
	_ =	sdelay $0x1  }
0x99: {  	s4 =	simm.s32 $_scs_section_size  }
0x9a: {  	s5 =	simm.s32 $_size__tile_overlayer_lowered;
	s6 =	simm.s32 $_tile_overlayer_lowered  }
0x9b: {  	s22 =	simm.s32 $0x1BFF;
	s21 =	sshll.u32 s6, $0x1;
	s3 =	sadd.s32 s4, s19  }
0x9c: {  	s7 =	simm.s32 $0x0;
	s20 =	sshll.u32 s5, $0x1;
	s5 =	sadd.s32 s21, s3  }
0x9d: {  	[timem:s7], [sflag:s22] =	dma.local [hbm:s5], s20  }
0x9e: {  	_ =	swait.ge [sflag:s22], s20  }
0x9f: {  	s4 =	ssub.s32 $0x0, s20;
	[sflag:s22] =	ssyncset.done $0x0  }
0xa0: {  	[sflag:s22] =	ssyncadd.s32 s4;
	_ =	sdelay $0x1  }
0xa1: {  	s23 =	simm.s32 $0x1B8B  }
0xa2: {  	_ =	swait.ge [sflag:s23], $0x1  }
0xa3: {  	[sflag:s23] =	ssyncset.done $0x0  }
0xa4: {  	s25 =	simm.s32 $0x1B8E;
	s24 =	sld [smem:$0x3FFE];
	[sflag:s23] =	ssyncadd.s32 $0xFFFFFFFF  }
0xa5: {  	s26 =	simm.s32 $execute0_lowered;
	[smem:$0x3FD2] =	sst s25  }
0xa6: {  	s5 =	sshll.u32 s26, $0x1;
	_ =	strace $0x80000046;
	[dreg:$0x1] =	wrdreg $0xFFFFFFFF  }
0xa7: {  	s28 =	simm.s32 $_size_execute0_lowered;
	s3 =	sadd.s32 s3, s5;
	[dreg:$0x0] =	wrdreg $0x0  }
0xa8: {  	s5 =	sshll.u32 s28, $0x1;
	[dreg:$0x2] =	wrdreg s3  }
0xa9: {  	[dreg:$0x3] =	wrdreg s5  }
0xaa: {  	[dreg:$0x4] =	wrdreg $0xC0  }
0xab: {  	_ =	task [dreg:s7], $0x5FFFF  }
0xac: {  	[dreg:$0x1] =	wrdreg $0xFFFFFFFF  }
0xad: {  	[dreg:$0x0] =	wrdreg $0x60  }
0xae: {  	[dreg:$0x2] =	wrdreg s2  }
0xaf: {  	[dreg:$0x3] =	wrdreg s24  }
0xb0: {  	[dreg:$0x4] =	wrdreg $0x9  }
0xb1: {  	_ =	task.clear_ibuf [dreg:s7], $0x5FFFF;
	_ =	strace $0x90000046  }
0xb2: {  	s29 =	simm.s32 $0x9;
	_ =	strace $0x80000048  }
0xb3: {  	_ =	swait.ge [sflag:s29], $0x1  }
0xb4: {  	[sflag:s29] =	ssyncadd.s32 $0xFFFFFFFF  }
0xb5: {  	_ =	strace $0x90000048  }
0xb6: {  	_ =	sfence  }
0xb7: {  	s30 =	sld [smem:$0x0];
	_ =	sdelay $0x2  }
0xb8: {  	s31 =	sshll.u32 s1, $0xD;
	s1 =	sshrl.u32 s1, $0x2  }
0xb9: {  	s3 =	sand.u32 $0x4000, s31;
	s1 =	sadd.s32 s1, s30  }
0xba: {  	s0 =	sor.u32 s3, s0;
	s1 =	sshll.u32 s1, $0x11  }
0xbb: {  	s0 =	sor.u32 s1, s0  }
0xbc: {  	s0 =	sadd.s32 $0x8F2B, s0  }
0xbd: {  	[sflag:s0] =	ssyncadd.remote.s32 $0x1  }
0xbe: {  	_ =	sfence.sel $0xFFFF  }
0xbf: {  	[dreg:$0x0] =	wrdreg $0xFFFFFFFF;
	(pc) =	sbr.abs _section_cstart, $3  }
0xc0: {  	[dreg:$0x1] =	wrdreg $0xFFFFFFFF  }
0xc1: {  	_ =	task.clear_ibuf [dreg:s7], $0x2FFFF;
	_ =	strace $0x9FFFFFFF  }
0xc2: {  	(tm) =	ssettm $0x7FFFFFFF  }
0xc3: {  	_ =	shalt  }
tec
execute0_lowered:
.L_overlay_start_1:
0x0: {  	(tag) =	ssettag $0x1  }
0x1: {  	s0 =	srdreg.scid  }
0x2: {  	s10 =	sand.u32 $0x1, s0;
	s0 =	stileid.u32  }
0x3: {  	s3 =	sor.u32 s0, s10  }
0x4: {  	p0 =	sne.s32 s3, $0x0  }
.Ltmp0:
0x5: {  	_ = 	snop;
	(pc) =	sbr.rel @p0 .LBB2_4-.Ltmp0, $4  }
0x6: {  	_ = 	snop  }
0x7: {  	s2 =	rddreg [dreg:$0x0]  }
0x8: {  	s9 =	rddreg [dreg:$0x1]  }
0x9: {  	s1 =	rddreg [dreg:$0x2];
	_ =	strace $0x80000047  }
0xa: {  	s5 =	sadd.s32 $0xA00, s9;
	s4 =	simm.s32 $0x0;
	s3 =	simm.s32 $0x2  }
0xb: {  	[tilespmem:s4], [sflag:$0x2] =	stream.linear.gather [hbm4b:s5+s4], $0x80, $0x38;
	[tilespmem:$0x180] =	vst v63  }
0xc: {  	_ =	swait.ge [sflag:s3], $0x80  }
0xd: {  	s6 =	simm.s32 $0x40;
	[sflag:s3] =	ssyncset.done $0x0  }
0xe: {  	s7 =	simm.s32 $0x80;
	s8 =	simm.s32 $0x1;
	[sflag:s3] =	ssyncadd.s32 $0xFFFFFF80  }
0xf: {  	[tilespmem:s7], [sflag:$0x1] =	stream.indirect.gather [hbm4b:s2+s6], $0x1, s4, s6, $0xb8;
	[tilespmem:$0x180] =	vst v63  }
0x10: {  	_ =	swait.ge [sflag:s8], $0x40  }
0x11: {  	[sflag:s8] =	ssyncset.done $0x0  }
0x12: {  	[sflag:s8] =	ssyncadd.s32 $0xFFFFFFC0  }
0x13: {  	v0 =	vld [tilespmem:$0xB0]  }
0x14: {  	v1 =	vld [tilespmem:$0xA0]  }
0x15: {  	s10 =	ssub.s32 $0x2, s10;
	v2 =	vld [tilespmem:$0x80]  }
0x16: {  	s11 =	sshrl.u32 s10, $0x1;
	v3 =	vld [tilespmem:$0x90]  }
0x17: {  	s11 =	ssub.s32 s10, s11  }
0x18: {  	p0 =	sne.s32 s11, $0x1;
	v0 =	vcvt.s32.f32 v0  }
.Ltmp1:
0x19: {  	v1 =	vcvt.s32.f32 v1;
	(pc) =	sbr.rel @!p0 .LBB2_3-.Ltmp1, $4  }
0x1a: {  	v2 =	vcvt.s32.f32 v2;
	[tilespmem:$0x130] =	vst v0  }
0x1b: {  	v63 =	vcvt.s32.f32 v3;
	[tilespmem:$0x120] =	vst v1  }
0x1c: {  	[tilespmem:$0x100] =	vst v2  }
0x1d: {  	s9 =	sadd.s32 $0xC00, s9;
	s10 =	simm.s32 $0x100;
	s11 =	sadd.s32 $0xFFFFFFFF, s11;
	[tilespmem:$0x110] =	vst v63  }
.LBB2_2:
0x1e: {  	[hbm4b:s9+s4] =	stream.linear.scatter [tilespmem:s10], [sflag:$0x2], $0x80, $0x38;
	[tilespmem:$0x180] =	vst v63  }
0x1f: {  	p0 =	sne.s32 s11, $0x1;
	s11 =	sadd.s32 $0xFFFFFFFF, s11;
	_ =	swait.ge [sflag:s3], $0x80  }
0x20: {  	[sflag:s3] =	ssyncset.done $0x0  }
0x21: {  	[sflag:s3] =	ssyncadd.s32 $0xFFFFFF80  }
0x22: {  	[tilespmem:s4], [sflag:$0x2] =	stream.linear.gather [hbm4b:s5+s4], $0x80, $0x38;
	[tilespmem:$0x180] =	vst v63  }
0x23: {  	_ =	swait.ge [sflag:s3], $0x80  }
0x24: {  	[sflag:s3] =	ssyncset.done $0x0  }
0x25: {  	[sflag:s3] =	ssyncadd.s32 $0xFFFFFF80  }
0x26: {  	[tilespmem:s7], [sflag:$0x1] =	stream.indirect.gather [hbm4b:s2+s6], $0x1, s4, s6, $0xb8;
	[tilespmem:$0x180] =	vst v63  }
0x27: {  	_ =	swait.ge [sflag:s8], $0x40  }
0x28: {  	[sflag:s8] =	ssyncset.done $0x0  }
0x29: {  	[sflag:s8] =	ssyncadd.s32 $0xFFFFFFC0  }
0x2a: {  	v0 =	vld [tilespmem:$0xB0]  }
0x2b: {  	v1 =	vld [tilespmem:$0xA0]  }
0x2c: {  	v2 =	vld [tilespmem:$0x80]  }
0x2d: {  	v3 =	vld [tilespmem:$0x90];
	_ =	sdelay $0x1  }
0x2e: {  	v0 =	vcvt.s32.f32 v0  }
.Ltmp2:
0x2f: {  	v1 =	vcvt.s32.f32 v1;
	(pc) =	sbr.rel @p0 .LBB2_2-.Ltmp2, $4  }
0x30: {  	v2 =	vcvt.s32.f32 v2;
	[tilespmem:$0x130] =	vst v0  }
0x31: {  	v0 =	vcvt.s32.f32 v3;
	[tilespmem:$0x120] =	vst v1  }
0x32: {  	[tilespmem:$0x100] =	vst v2  }
0x33: {  	[tilespmem:$0x110] =	vst v0  }
.LBB2_3:
0x34: {  	[hbm4b:s9+s4] =	stream.linear.scatter [tilespmem:s10], [sflag:$0x2], $0x80, $0x38;
	[tilespmem:$0x180] =	vst v63  }
0x35: {  	_ =	swait.ge [sflag:s3], $0x80  }
0x36: {  	[sflag:s3] =	ssyncset.done $0x0  }
0x37: {  	[sflag:s3] =	ssyncadd.s32 $0xFFFFFF80  }
.LBB2_4:
0x38: {  	_ =	sfence.sel $0x180000  }
0x39: {  	[bflag:$0x0] =	sbarrier.arrive $0xFFFF  }
0x3a: {  	p0 =	sne.s32 s0, $0x0;
	_ =	strace $0x90000047  }
0x3b: {  	s0 =	sadd.s32 @!p0 $0x100000, s1;
	[bflag:$0x2] =	sbarrier.arrive $0xFFFF  }
0x3c: {  	[sflag:s0] =	ssyncadd.tile.s32 @!p0 $0x1;
	_ =	shalt  }
.Lfunc_end2:
_tile_overlayer_lowered:
.L_overlay_start_2:
0x3d: {  	(tag) =	ssettag $0x2  }
0x3e: {  	s0 =	rddreg [dreg:$0x0];
	s2 =	stileid.u32  }
0x3f: {  	s1 =	rddreg [dreg:$0x1];
	p0 =	sne.s32 s2, $0x0  }
0x40: {  	s3 =	rddreg [dreg:$0x2];
	[bflag:$0x3] =	sbarrier.arrive $0xFFFF;
	s2 =	simm.s32 @!p0 $0x1C02  }
0x41: {  	[timem:s3], [sflag:s2] =	dma.local @!p0 [hbm:s0], s1  }
0x42: {  	s0 =	simm.s32 @!p0 $0x2  }
0x43: {  	_ =	swait.ge @!p0 [sflag:s0], s1  }
0x44: {  	s1 =	ssub.s32 @!p0 $0x0, s1;
	[sflag:s0] =	ssyncset.done @!p0 $0x0  }
0x45: {  	[sflag:s0] =	ssyncadd.s32 @!p0 s1  }
0x46: {  	[bflag:$0x3] =	sbarrier.arrive $0xFFFF  }
0x47: {  	_ =	shalt  }

</sc_bundles>
